<compile_context>
chip_gen: v7x
topology: tpu7x:2x2x1
jax: 0.10.2.dev20260603
libtpu: 0.0.44.dev20260713+nightly
codegen_flags: <defaults>
</compile_context>

<pallas_src>
import functools

import jax
import jax.numpy as jnp
from jax import lax
from jax.experimental import pallas as pl
from jax.experimental.pallas import tpu as pltpu
from jax.experimental.pallas import tpu_sc as plsc

RB = 64
NBUF = 2
SPLIT = 49920


def _sc_geometry():
    try:
        info = plsc.get_sparse_core_info()
        return info.num_cores, info.num_subcores
    except Exception:
        return 2, 16


@functools.lru_cache(maxsize=None)
def _make_gather(V, D, B, NC, NS):
    NW = NC * NS
    assert B % NW == 0 and (B // NW) % 8 == 0
    b_per_w = B // NW
    mesh = plsc.VectorSubcoreMesh(
        core_axis_name="c", subcore_axis_name="s",
        num_cores=NC, num_subcores=NS)

    @functools.partial(
        pl.kernel, mesh=mesh,
        out_type=jax.ShapeDtypeStruct((B, D), jnp.float32),
        scratch_types=[
            pltpu.VMEM((b_per_w,), jnp.int32),
            pltpu.VMEM((b_per_w, D), jnp.float32),
            pltpu.SemaphoreType.DMA,
        ],
        compiler_params=pltpu.CompilerParams(use_tc_tiling_on_sc=False),
    )
    def gather_kernel(table_hbm, idx_hbm, out_hbm, idx_v, rows_v, sem):
        wid = lax.axis_index("s") * NC + lax.axis_index("c")
        base = wid * b_per_w
        pltpu.sync_copy(idx_hbm.at[pl.ds(base, b_per_w)], idx_v)
        pltpu.async_copy(table_hbm.at[idx_v], rows_v, sem).wait()
        pltpu.sync_copy(rows_v, out_hbm.at[pl.ds(base, b_per_w)])

    return gather_kernel


def _make_matmul_body(B, V, D, VP):
    nt = B // RB

    def body(x_ref, w_ref, b_ref, e2_hbm, o_hbm, h2_ref, e2_ref, obuf,
             sems, esem):
        i = pl.program_id(0)

        @pl.when(i == 0)
        def _():
            pltpu.make_async_copy(e2_hbm, e2_ref, esem).start()
            pltpu.make_async_copy(e2_hbm, e2_ref, esem).wait()

        @pl.when(i == 0)
        def _():
            h = lax.dot_general(
                x_ref[...], w_ref[...], (((1,), (1,)), ((), ())),
                preferred_element_type=jnp.float32) + b_ref[...]
            z = jnp.zeros((B, D), jnp.float32)
            hl = jnp.concatenate([h, z], axis=1).reshape(nt, RB, 2 * D)
            hr = jnp.concatenate([z, h], axis=1).reshape(nt, RB, 2 * D)
            h2_ref[...] = jnp.concatenate([hl, hr], axis=1).reshape(
                2 * B, 2 * D).astype(jnp.bfloat16)

        slot = lax.rem(i, NBUF)

        def left_copy(step, s):
            return pltpu.make_async_copy(
                obuf.at[s, pl.ds(0, RB), pl.ds(0, SPLIT)],
                o_hbm.at[pl.ds(step * RB, RB), pl.ds(0, SPLIT)],
                sems.at[s, 0])

        def right_copy(step, s):
            return pltpu.make_async_copy(
                obuf.at[s, pl.ds(RB, RB), :],
                o_hbm.at[pl.ds(step * RB, RB), pl.ds(SPLIT, V - SPLIT)],
                sems.at[s, 1])

        @pl.when(i >= NBUF)
        def _():
            left_copy(i - NBUF, slot).wait()
            right_copy(i - NBUF, slot).wait()

        obuf[slot] = lax.dot_general(
            h2_ref[pl.ds(2 * RB * i, 2 * RB), :], e2_ref[...],
            (((1,), (1,)), ((), ())),
            preferred_element_type=jnp.float32)
        left_copy(i, slot).start()
        right_copy(i, slot).start()

        @pl.when(i == nt - 1)
        def _():
            for k in range(NBUF):
                step = nt - NBUF + k
                left_copy(step, step % NBUF).wait()
                right_copy(step, step % NBUF).wait()

    return body


def _tc_matmul(x, proj_weight, proj_bias, embed_weight, interpret=False):
    B, D = x.shape
    V = embed_weight.shape[0]
    VP = V - SPLIT
    a = embed_weight[:SPLIT]
    bb = embed_weight[SPLIT:]
    e2 = jnp.concatenate(
        [jnp.pad(a, ((0, VP - SPLIT), (0, 0))), bb],
        axis=1).astype(jnp.bfloat16)
    nt = B // RB
    return pl.pallas_call(
        _make_matmul_body(B, V, D, VP),
        grid=(nt,),
        in_specs=[
            pl.BlockSpec((B, D), lambda i: (0, 0)),
            pl.BlockSpec((D, D), lambda i: (0, 0)),
            pl.BlockSpec((1, D), lambda i: (0, 0)),
            pl.BlockSpec(memory_space=pltpu.MemorySpace.HBM),
        ],
        out_specs=pl.BlockSpec(memory_space=pltpu.MemorySpace.HBM),
        out_shape=jax.ShapeDtypeStruct((B, V), jnp.float32),
        scratch_shapes=[
            pltpu.VMEM((2 * B, 2 * D), jnp.bfloat16),
            pltpu.VMEM((VP, 2 * D), jnp.bfloat16),
            pltpu.VMEM((NBUF, 2 * RB, V - SPLIT), jnp.float32),
            pltpu.SemaphoreType.DMA((NBUF, 2)),
            pltpu.SemaphoreType.DMA,
        ],
        compiler_params=pltpu.CompilerParams(
            dimension_semantics=("arbitrary",),
            vmem_limit_bytes=100 * 1024 * 1024),
        interpret=interpret,
    )(x, proj_weight, proj_bias.reshape(1, D), e2)


def kernel(idx, embed_weight, proj_weight, proj_bias):
    V, D = embed_weight.shape
    B = idx.shape[0]
    NC, NS = _sc_geometry()
    x = _make_gather(V, D, B, NC, NS)(embed_weight, idx.astype(jnp.int32))
    return _tc_matmul(x, proj_weight, proj_bias, embed_weight)

# --- scband reference (transcript-rebuilt; emitter-appended) ---
"""Pipeline reference for scband-weight-tied-lm-1855425872188 (READ-ONLY COPY).

The authoritative reference and input builder live on the scoring server;
editing this copy changes nothing except your own understanding.
"""

import jax, jax.numpy as jnp
import numpy as np

VOCAB = 100000
DIM = 64
BATCH = 1024

def setup_inputs(seed: int = 0) -> dict:
    key = jax.random.key(seed)
    k_idx, k_emb, k_w, k_b = jax.random.split(key, 4)
    idx = jax.random.randint(k_idx, (BATCH,), 0, VOCAB, dtype=jnp.int64 if jax.config.jax_enable_x64 else jnp.int32)
    embed_weight = jax.random.normal(k_emb, (VOCAB, DIM), dtype=jnp.float32) * 0.02
    proj_weight = jax.random.normal(k_w, (DIM, DIM), dtype=jnp.float32) * (1.0 / np.sqrt(DIM))
    proj_bias = jax.random.normal(k_b, (DIM,), dtype=jnp.float32) * 0.01
    return {"idx": idx, "embed_weight": embed_weight, "proj_weight": proj_weight, "proj_bias": proj_bias}

def reference(idx, embed_weight, proj_weight, proj_bias):
    # x = self.embed(idx)
    x = jnp.take(embed_weight, idx, axis=0)
    # x = self.proj(x)  (torch Linear: x @ W.T + b)
    x = x @ proj_weight.T + proj_bias
    # logits = self.lm_head(x)  (tied weight: embed_weight, no bias)
    logits = x @ embed_weight.T
    return logits

if __name__ == "__main__":
    import jax
    _d = setup_inputs()
    print(jax.jit(kernel)(*tuple(_d.values())))

</pallas_src>

<mosaic_0001>
#map = affine_map<(d0, d1) -> (0, 0)>
#map1 = affine_map<(d0, d1) -> (0)>
module attributes {stable_mosaic.version = 14 : i64} {
  func.func @gather_kernel(%arg0: i32, %arg1: i32, %arg2: memref<100000x64xf32, #tpu.memory_space<hbm>>, %arg3: memref<1024xi32, #tpu.memory_space<hbm>>, %arg4: memref<1024x64xf32, #tpu.memory_space<hbm>>, %arg5: memref<32xi32, #tpu.memory_space<vmem>>, %arg6: memref<32x64xf32, #tpu.memory_space<vmem>>, %arg7: memref<!tpu.dma_semaphore, #tpu.memory_space<semaphore_mem>>) attributes {dimension_semantics = [#tpu.dimension_semantics<core_parallel>, #tpu.dimension_semantics<subcore_parallel>], iteration_bounds = array<i64: 2, 16>, scalar_prefetch = 0 : i64, scratch_operands = 3 : i64, tpu.core_type = #tpu.core_type<sc_vector_subcore>, window_params = [{transform_indices = #map}, {transform_indices = #map1}, {transform_indices = #map}]} {
    %mul3A = arith.constant 2 : i32
    %mul3A_0 = arith.muli %arg1, %mul3A : i32
    %add3A = arith.addi %mul3A_0, %arg0 : i32
    %mul3A_1 = arith.constant 32 : i32
    %mul3A_2 = arith.muli %add3A, %mul3A_1 : i32
    "tpu.region"() ({
      %run_scoped3A = tpu.sem_alloc : memref<!tpu.dma_semaphore, #tpu.memory_space<semaphore_mem>>
      %dma_start3A_7 = tpu.memref_slice %arg3[%mul3A_2] : memref<1024xi32, #tpu.memory_space<hbm>> -> memref<32xi32, #tpu.memory_space<hbm>>
      %dma_start3A_8 = tpu.memref_slice %arg3[%mul3A_2] : memref<1024xi32, #tpu.memory_space<hbm>> -> memref<32xi32, #tpu.memory_space<hbm>>
      tpu.enqueue_dma source(%dma_start3A_8 : memref<32xi32, #tpu.memory_space<hbm>>) target(%arg5 : memref<32xi32, #tpu.memory_space<vmem>>) target_semaphore(%run_scoped3A : memref<!tpu.dma_semaphore, #tpu.memory_space<semaphore_mem>>)
      %dma_wait3A_9 = tpu.memref_slice %arg3[%mul3A_2] : memref<1024xi32, #tpu.memory_space<hbm>> -> memref<32xi32, #tpu.memory_space<hbm>>
      %dma_wait3A_10 = tpu.memref_slice %arg3[%mul3A_2] : memref<1024xi32, #tpu.memory_space<hbm>> -> memref<32xi32, #tpu.memory_space<hbm>>
      tpu.wait_dma2 semaphore(%run_scoped3A : memref<!tpu.dma_semaphore, #tpu.memory_space<semaphore_mem>>) src(%dma_wait3A_10 : memref<32xi32, #tpu.memory_space<hbm>>) dst(%arg5 : memref<32xi32, #tpu.memory_space<vmem>>)
      tpu.yield
    }) : () -> ()
    %dma_start3A = arith.constant 0 : i32
    %dma_start3A_3 = arith.constant 0 : i32
    %dma_start3A_4 = tpu.memref_slice %arg2[%dma_start3A, %dma_start3A_3] : memref<100000x64xf32, #tpu.memory_space<hbm>> -> memref<100000x64xf32, #tpu.memory_space<hbm>>
    tpu.enqueue_indirect_dma source(%dma_start3A_4 : memref<100000x64xf32, #tpu.memory_space<hbm>>) target(%arg6 : memref<32x64xf32, #tpu.memory_space<vmem>>) offsets(%arg5 : memref<32xi32, #tpu.memory_space<vmem>>) semaphore(%arg7 : memref<!tpu.dma_semaphore, #tpu.memory_space<semaphore_mem>>)
    %dma_wait3A = arith.constant 0 : i32
    %dma_wait3A_5 = arith.constant 0 : i32
    %dma_wait3A_6 = tpu.memref_slice %arg2[%dma_wait3A, %dma_wait3A_5] : memref<100000x64xf32, #tpu.memory_space<hbm>> -> memref<100000x64xf32, #tpu.memory_space<hbm>>
    tpu.wait_indirect_dma semaphore(%arg7 : memref<!tpu.dma_semaphore, #tpu.memory_space<semaphore_mem>>) src(%dma_wait3A_6 : memref<100000x64xf32, #tpu.memory_space<hbm>>) dst(%arg6 : memref<32x64xf32, #tpu.memory_space<vmem>>)
    "tpu.region"() ({
      %run_scoped3A = tpu.sem_alloc : memref<!tpu.dma_semaphore, #tpu.memory_space<semaphore_mem>>
      %dma_start3A_7 = arith.constant 0 : i32
      %dma_start3A_8 = tpu.memref_slice %arg4[%mul3A_2, %dma_start3A_7] : memref<1024x64xf32, #tpu.memory_space<hbm>> -> memref<32x64xf32, #tpu.memory_space<hbm>>
      %dma_start3A_9 = arith.constant 0 : i32
      %dma_start3A_10 = tpu.memref_slice %arg4[%mul3A_2, %dma_start3A_9] : memref<1024x64xf32, #tpu.memory_space<hbm>> -> memref<32x64xf32, #tpu.memory_space<hbm>>
      tpu.enqueue_dma source(%arg6 : memref<32x64xf32, #tpu.memory_space<vmem>>) target(%dma_start3A_10 : memref<32x64xf32, #tpu.memory_space<hbm>>) target_semaphore(%run_scoped3A : memref<!tpu.dma_semaphore, #tpu.memory_space<semaphore_mem>>)
      %dma_wait3A_11 = arith.constant 0 : i32
      %dma_wait3A_12 = tpu.memref_slice %arg4[%mul3A_2, %dma_wait3A_11] : memref<1024x64xf32, #tpu.memory_space<hbm>> -> memref<32x64xf32, #tpu.memory_space<hbm>>
      %dma_wait3A_13 = arith.constant 0 : i32
      %dma_wait3A_14 = tpu.memref_slice %arg4[%mul3A_2, %dma_wait3A_13] : memref<1024x64xf32, #tpu.memory_space<hbm>> -> memref<32x64xf32, #tpu.memory_space<hbm>>
      tpu.wait_dma2 semaphore(%run_scoped3A : memref<!tpu.dma_semaphore, #tpu.memory_space<semaphore_mem>>) src(%arg6 : memref<32x64xf32, #tpu.memory_space<vmem>>) dst(%dma_wait3A_14 : memref<32x64xf32, #tpu.memory_space<hbm>>)
      tpu.yield
    }) : () -> ()
    return
  }
}

module attributes {stable_mosaic.version = 14 : i64} {
  func.func @body(%arg0: i32, %arg1: memref<1024x64xf32, #tpu.memory_space<vmem>>, %arg2: memref<64x64xf32, #tpu.memory_space<vmem>>, %arg3: memref<1x64xf32, #tpu.memory_space<vmem>>, %arg4: memref<50080x128xbf16, #tpu.memory_space<hbm>>, %arg5: memref<1024x100000xf32, #tpu.memory_space<hbm>>, %arg6: memref<2048x128xbf16, #tpu.memory_space<vmem>>, %arg7: memref<50080x128xbf16, #tpu.memory_space<vmem>>, %arg8: memref<2x128x50080xf32, #tpu.memory_space<vmem>>, %arg9: memref<2x2x!tpu.dma_semaphore, #tpu.memory_space<semaphore_mem>>, %arg10: memref<!tpu.dma_semaphore, #tpu.memory_space<semaphore_mem>>) attributes {dimension_semantics = [#tpu.dimension_semantics<arbitrary>], iteration_bounds = array<i64: 16>, scalar_prefetch = 0 : i64, scratch_operands = 5 : i64, tpu.core_type = #tpu.core_type<tc>, window_params = [{pipeline_mode = #tpu.pipeline_mode<synchronous>, transform_indices = @transform_0, window_bounds = array<i64: 1024, 64>}, {pipeline_mode = #tpu.pipeline_mode<synchronous>, transform_indices = @transform_1, window_bounds = array<i64: 64, 64>}, {pipeline_mode = #tpu.pipeline_mode<synchronous>, transform_indices = @transform_2, window_bounds = array<i64: 1, 64>}, {}, {}]} {
    %eq3A = arith.constant 0 : i32
    %eq3A_0 = arith.cmpi eq, %arg0, %eq3A : i32
    %convert_element_type3A = arith.extui %eq3A_0 : i1 to i32
    %cond3A = arith.constant 0 : i32
    %cond3A_1 = arith.cmpi ne, %convert_element_type3A, %cond3A : i32
    scf.if %cond3A_1 {
      tpu.enqueue_dma source(%arg4 : memref<50080x128xbf16, #tpu.memory_space<hbm>>) target(%arg7 : memref<50080x128xbf16, #tpu.memory_space<vmem>>) target_semaphore(%arg10 : memref<!tpu.dma_semaphore, #tpu.memory_space<semaphore_mem>>)
      tpu.wait_dma2 semaphore(%arg10 : memref<!tpu.dma_semaphore, #tpu.memory_space<semaphore_mem>>) src(%arg4 : memref<50080x128xbf16, #tpu.memory_space<hbm>>) dst(%arg7 : memref<50080x128xbf16, #tpu.memory_space<vmem>>)
    } else {
    }
    %eq3A_2 = arith.constant 0 : i32
    %eq3A_3 = arith.cmpi eq, %arg0, %eq3A_2 : i32
    %convert_element_type3A_4 = arith.extui %eq3A_3 : i1 to i32
    %cond3A_5 = arith.constant 0 : i32
    %cond3A_6 = arith.cmpi ne, %convert_element_type3A_4, %cond3A_5 : i32
    scf.if %cond3A_6 {
      %get3A_50 = arith.constant 0 : index
      %get3A_51 = arith.constant 0 : index
      %get3A_52 = vector.load %arg1[%get3A_50, %get3A_51] : memref<1024x64xf32, #tpu.memory_space<vmem>>, vector<1024x64xf32>
      %get3A_53 = arith.constant 0 : index
      %get3A_54 = arith.constant 0 : index
      %get3A_55 = vector.load %arg2[%get3A_53, %get3A_54] : memref<64x64xf32, #tpu.memory_space<vmem>>, vector<64x64xf32>
      %dot_general3A_56 = arith.constant dense<0.000000e+00> : vector<1024x64xf32>
      %dot_general3A_57 = tpu.matmul %get3A_52, %get3A_55, %dot_general3A_56 {dimension_numbers = #tpu.dot_dimension_numbers<[1], [1], [0], [0], [0, 0, 1, 0], [], []>, transpose_lhs_hint = false} : vector<1024x64xf32>, vector<64x64xf32>, vector<1024x64xf32> -> vector<1024x64xf32>
      %get3A_58 = arith.constant 0 : index
      %get3A_59 = arith.constant 0 : index
      %get3A_60 = vector.load %arg3[%get3A_58, %get3A_59] : memref<1x64xf32, #tpu.memory_space<vmem>>, vector<1x64xf32>
      %add3A = vector.broadcast %get3A_60 : vector<1x64xf32> to vector<1024x64xf32>
      %add3A_61 = arith.addf %dot_general3A_57, %add3A : vector<1024x64xf32>
      %broadcast_in_dim3A = arith.constant 0.000000e+00 : f32
      %broadcast_in_dim3A_62 = vector.broadcast %broadcast_in_dim3A : f32 to vector<1024x64xf32>
      %concatenate3A = tpu.concatenate %add3A_61, %broadcast_in_dim3A_62 in 1 : vector<1024x64xf32>, vector<1024x64xf32> -> vector<1024x128xf32>
      %reshape3A = vector.shape_cast %concatenate3A : vector<1024x128xf32> to vector<16x64x128xf32>
      %concatenate3A_63 = tpu.concatenate %broadcast_in_dim3A_62, %add3A_61 in 1 : vector<1024x64xf32>, vector<1024x64xf32> -> vector<1024x128xf32>
      %reshape3A_64 = vector.shape_cast %concatenate3A_63 : vector<1024x128xf32> to vector<16x64x128xf32>
      %concatenate3A_65 = tpu.concatenate %reshape3A, %reshape3A_64 in 1 : vector<16x64x128xf32>, vector<16x64x128xf32> -> vector<16x128x128xf32>
      %reshape3A_66 = vector.shape_cast %concatenate3A_65 : vector<16x128x128xf32> to vector<2048x128xf32>
      %convert_element_type3A_67 = arith.truncf %reshape3A_66 : vector<2048x128xf32> to vector<2048x128xbf16>
      %swap3A_68 = arith.constant 0 : index
      %swap3A_69 = arith.constant 0 : index
      %swap3A_70 = vector.load %arg6[%swap3A_68, %swap3A_69] : memref<2048x128xbf16, #tpu.memory_space<vmem>>, vector<2048x128xbf16>
      tpu.vector_store %arg6[%swap3A_68, %swap3A_69], %convert_element_type3A_67 {strides = array<i32>} : memref<2048x128xbf16, #tpu.memory_space<vmem>>, vector<2048x128xbf16>,
    } else {
    }
    %rem3A = arith.constant 2 : i32
    %rem3A_7 = arith.remsi %arg0, %rem3A : i32
    %ge3A = arith.constant 2 : i32
    %ge3A_8 = arith.cmpi sge, %arg0, %ge3A : i32
    %convert_element_type3A_9 = arith.extui %ge3A_8 : i1 to i32
    %cond3A_10 = arith.constant 0 : i32
    %cond3A_11 = arith.cmpi ne, %convert_element_type3A_9, %cond3A_10 : i32
    scf.if %cond3A_11 {
      %sub3A = arith.constant 2 : i32
      %sub3A_50 = arith.subi %arg0, %sub3A : i32
      %mul3A_51 = arith.constant 64 : i32
      %mul3A_52 = arith.muli %sub3A_50, %mul3A_51 : i32
      %dma_wait3A = arith.constant 0 : i32
      %dma_wait3A_53 = tpu.memref_slice %arg9[%rem3A_7, %dma_wait3A] : memref<2x2x!tpu.dma_semaphore, #tpu.memory_space<semaphore_mem>> -> memref<1x1x!tpu.dma_semaphore, #tpu.memory_space<semaphore_mem>>
      %dma_wait3A_54 = tpu.memref_squeeze %dma_wait3A_53 : memref<1x1x!tpu.dma_semaphore, #tpu.memory_space<semaphore_mem>> -> memref<!tpu.dma_semaphore, #tpu.memory_space<semaphore_mem>>
      %dma_wait3A_55 = arith.constant 0 : i32
      %dma_wait3A_56 = tpu.memref_slice %arg5[%mul3A_52, %dma_wait3A_55] : memref<1024x100000xf32, #tpu.memory_space<hbm>> -> memref<64x49920xf32, #tpu.memory_space<hbm>>
      %dma_wait3A_57 = arith.constant 0 : i32
      %dma_wait3A_58 = arith.constant 0 : i32
      %dma_wait3A_59 = tpu.memref_slice %arg8[%rem3A_7, %dma_wait3A_57, %dma_wait3A_58] : memref<2x128x50080xf32, #tpu.memory_space<vmem>> -> memref<1x64x49920xf32, #tpu.memory_space<vmem>>
      %dma_wait3A_60 = tpu.memref_squeeze %dma_wait3A_59 : memref<1x64x49920xf32, #tpu.memory_space<vmem>> -> memref<64x49920xf32, #tpu.memory_space<vmem>>
      tpu.wait_dma2 semaphore(%dma_wait3A_54 : memref<!tpu.dma_semaphore, #tpu.memory_space<semaphore_mem>>) src(%dma_wait3A_60 : memref<64x49920xf32, #tpu.memory_space<vmem>>) dst(%dma_wait3A_56 : memref<64x49920xf32, #tpu.memory_space<hbm>>)
      %sub3A_61 = arith.constant 2 : i32
      %sub3A_62 = arith.subi %arg0, %sub3A_61 : i32
      %mul3A_63 = arith.constant 64 : i32
      %mul3A_64 = arith.muli %sub3A_62, %mul3A_63 : i32
      %dma_wait3A_65 = arith.constant 1 : i32
      %dma_wait3A_66 = tpu.memref_slice %arg9[%rem3A_7, %dma_wait3A_65] : memref<2x2x!tpu.dma_semaphore, #tpu.memory_space<semaphore_mem>> -> memref<1x1x!tpu.dma_semaphore, #tpu.memory_space<semaphore_mem>>
      %dma_wait3A_67 = tpu.memref_squeeze %dma_wait3A_66 : memref<1x1x!tpu.dma_semaphore, #tpu.memory_space<semaphore_mem>> -> memref<!tpu.dma_semaphore, #tpu.memory_space<semaphore_mem>>
      %dma_wait3A_68 = arith.constant 49920 : i32
      %dma_wait3A_69 = tpu.memref_slice %arg5[%mul3A_64, %dma_wait3A_68] : memref<1024x100000xf32, #tpu.memory_space<hbm>> -> memref<64x50080xf32, #tpu.memory_space<hbm>>
      %dma_wait3A_70 = arith.constant 64 : i32
      %dma_wait3A_71 = arith.constant 0 : i32
      %dma_wait3A_72 = tpu.memref_slice %arg8[%rem3A_7, %dma_wait3A_70, %dma_wait3A_71] : memref<2x128x50080xf32, #tpu.memory_space<vmem>> -> memref<1x64x50080xf32, #tpu.memory_space<vmem>>
      %dma_wait3A_73 = tpu.memref_squeeze %dma_wait3A_72 : memref<1x64x50080xf32, #tpu.memory_space<vmem>> -> memref<64x50080xf32, #tpu.memory_space<vmem>>
      tpu.wait_dma2 semaphore(%dma_wait3A_67 : memref<!tpu.dma_semaphore, #tpu.memory_space<semaphore_mem>>) src(%dma_wait3A_73 : memref<64x50080xf32, #tpu.memory_space<vmem>>) dst(%dma_wait3A_69 : memref<64x50080xf32, #tpu.memory_space<hbm>>)
    } else {
    }
    %mul3A = arith.constant 128 : i32
    %mul3A_12 = arith.muli %mul3A, %arg0 : i32
    %get3A = arith.index_cast %mul3A_12 : i32 to index
    %get3A_13 = arith.constant 0 : index
    %get3A_14 = vector.load %arg6[%get3A, %get3A_13] : memref<2048x128xbf16, #tpu.memory_space<vmem>>, vector<128x128xbf16>
    %get3A_15 = arith.constant 0 : index
    %get3A_16 = arith.constant 0 : index
    %get3A_17 = vector.load %arg7[%get3A_15, %get3A_16] : memref<50080x128xbf16, #tpu.memory_space<vmem>>, vector<50080x128xbf16>
    %dot_general3A = arith.constant dense<0.000000e+00> : vector<128x50080xf32>
    %dot_general3A_18 = tpu.matmul %get3A_14, %get3A_17, %dot_general3A {dimension_numbers = #tpu.dot_dimension_numbers<[1], [1], [0], [0], [0, 0, 1, 0], [], []>, transpose_lhs_hint = false} : vector<128x128xbf16>, vector<50080x128xbf16>, vector<128x50080xf32> -> vector<128x50080xf32>
    %swap3A = arith.index_cast %rem3A_7 : i32 to index
    %swap3A_19 = arith.constant 0 : index
    %swap3A_20 = arith.constant 0 : index
    %swap3A_21 = vector.load %arg8[%swap3A, %swap3A_19, %swap3A_20] : memref<2x128x50080xf32, #tpu.memory_space<vmem>>, vector<1x128x50080xf32>
    %swap3A_22 = vector.shape_cast %swap3A_21 : vector<1x128x50080xf32> to vector<128x50080xf32>
    %swap3A_23 = vector.shape_cast %dot_general3A_18 : vector<128x50080xf32> to vector<1x128x50080xf32>
    tpu.vector_store %arg8[%swap3A, %swap3A_19, %swap3A_20], %swap3A_23 {strides = array<i32>} : memref<2x128x50080xf32, #tpu.memory_space<vmem>>, vector<1x128x50080xf32>,
    %mul3A_24 = arith.constant 64 : i32
    %mul3A_25 = arith.muli %arg0, %mul3A_24 : i32
    %dma_start3A = arith.constant 0 : i32
    %dma_start3A_26 = tpu.memref_slice %arg9[%rem3A_7, %dma_start3A] : memref<2x2x!tpu.dma_semaphore, #tpu.memory_space<semaphore_mem>> -> memref<1x1x!tpu.dma_semaphore, #tpu.memory_space<semaphore_mem>>
    %dma_start3A_27 = tpu.memref_squeeze %dma_start3A_26 : memref<1x1x!tpu.dma_semaphore, #tpu.memory_space<semaphore_mem>> -> memref<!tpu.dma_semaphore, #tpu.memory_space<semaphore_mem>>
    %dma_start3A_28 = arith.constant 0 : i32
    %dma_start3A_29 = tpu.memref_slice %arg5[%mul3A_25, %dma_start3A_28] : memref<1024x100000xf32, #tpu.memory_space<hbm>> -> memref<64x49920xf32, #tpu.memory_space<hbm>>
    %dma_start3A_30 = arith.constant 0 : i32
    %dma_start3A_31 = arith.constant 0 : i32
    %dma_start3A_32 = tpu.memref_slice %arg8[%rem3A_7, %dma_start3A_30, %dma_start3A_31] : memref<2x128x50080xf32, #tpu.memory_space<vmem>> -> memref<1x64x49920xf32, #tpu.memory_space<vmem>>
    %dma_start3A_33 = tpu.memref_squeeze %dma_start3A_32 : memref<1x64x49920xf32, #tpu.memory_space<vmem>> -> memref<64x49920xf32, #tpu.memory_space<vmem>>
    tpu.enqueue_dma source(%dma_start3A_33 : memref<64x49920xf32, #tpu.memory_space<vmem>>) target(%dma_start3A_29 : memref<64x49920xf32, #tpu.memory_space<hbm>>) target_semaphore(%dma_start3A_27 : memref<!tpu.dma_semaphore, #tpu.memory_space<semaphore_mem>>)
    %mul3A_34 = arith.constant 64 : i32
    %mul3A_35 = arith.muli %arg0, %mul3A_34 : i32
    %dma_start3A_36 = arith.constant 1 : i32
    %dma_start3A_37 = tpu.memref_slice %arg9[%rem3A_7, %dma_start3A_36] : memref<2x2x!tpu.dma_semaphore, #tpu.memory_space<semaphore_mem>> -> memref<1x1x!tpu.dma_semaphore, #tpu.memory_space<semaphore_mem>>
    %dma_start3A_38 = tpu.memref_squeeze %dma_start3A_37 : memref<1x1x!tpu.dma_semaphore, #tpu.memory_space<semaphore_mem>> -> memref<!tpu.dma_semaphore, #tpu.memory_space<semaphore_mem>>
    %dma_start3A_39 = arith.constant 49920 : i32
    %dma_start3A_40 = tpu.memref_slice %arg5[%mul3A_35, %dma_start3A_39] : memref<1024x100000xf32, #tpu.memory_space<hbm>> -> memref<64x50080xf32, #tpu.memory_space<hbm>>
    %dma_start3A_41 = arith.constant 64 : i32
    %dma_start3A_42 = arith.constant 0 : i32
    %dma_start3A_43 = tpu.memref_slice %arg8[%rem3A_7, %dma_start3A_41, %dma_start3A_42] : memref<2x128x50080xf32, #tpu.memory_space<vmem>> -> memref<1x64x50080xf32, #tpu.memory_space<vmem>>
    %dma_start3A_44 = tpu.memref_squeeze %dma_start3A_43 : memref<1x64x50080xf32, #tpu.memory_space<vmem>> -> memref<64x50080xf32, #tpu.memory_space<vmem>>
    tpu.enqueue_dma source(%dma_start3A_44 : memref<64x50080xf32, #tpu.memory_space<vmem>>) target(%dma_start3A_40 : memref<64x50080xf32, #tpu.memory_space<hbm>>) target_semaphore(%dma_start3A_38 : memref<!tpu.dma_semaphore, #tpu.memory_space<semaphore_mem>>)
    %eq3A_45 = arith.constant 15 : i32
    %eq3A_46 = arith.cmpi eq, %arg0, %eq3A_45 : i32
    %convert_element_type3A_47 = arith.extui %eq3A_46 : i1 to i32
    %cond3A_48 = arith.constant 0 : i32
    %cond3A_49 = arith.cmpi ne, %convert_element_type3A_47, %cond3A_48 : i32
    scf.if %cond3A_49 {
      %dma_wait3A = arith.constant 0 : i32
      %dma_wait3A_50 = arith.constant 0 : i32
      %dma_wait3A_51 = arith.constant 0 : i32
      %dma_wait3A_52 = tpu.memref_slice %arg9[%dma_wait3A_50, %dma_wait3A_51] : memref<2x2x!tpu.dma_semaphore, #tpu.memory_space<semaphore_mem>> -> memref<1x1x!tpu.dma_semaphore, #tpu.memory_space<semaphore_mem>>
      %dma_wait3A_53 = tpu.memref_squeeze %dma_wait3A_52 : memref<1x1x!tpu.dma_semaphore, #tpu.memory_space<semaphore_mem>> -> memref<!tpu.dma_semaphore, #tpu.memory_space<semaphore_mem>>
      %dma_wait3A_54 = arith.constant 896 : i32
      %dma_wait3A_55 = arith.constant 0 : i32
      %dma_wait3A_56 = tpu.memref_slice %arg5[%dma_wait3A_54, %dma_wait3A_55] : memref<1024x100000xf32, #tpu.memory_space<hbm>> -> memref<64x49920xf32, #tpu.memory_space<hbm>>
      %dma_wait3A_57 = arith.constant 0 : i32
      %dma_wait3A_58 = arith.constant 0 : i32
      %dma_wait3A_59 = tpu.memref_slice %arg8[%dma_wait3A, %dma_wait3A_57, %dma_wait3A_58] : memref<2x128x50080xf32, #tpu.memory_space<vmem>> -> memref<1x64x49920xf32, #tpu.memory_space<vmem>>
      %dma_wait3A_60 = tpu.memref_squeeze %dma_wait3A_59 : memref<1x64x49920xf32, #tpu.memory_space<vmem>> -> memref<64x49920xf32, #tpu.memory_space<vmem>>
      tpu.wait_dma2 semaphore(%dma_wait3A_53 : memref<!tpu.dma_semaphore, #tpu.memory_space<semaphore_mem>>) src(%dma_wait3A_60 : memref<64x49920xf32, #tpu.memory_space<vmem>>) dst(%dma_wait3A_56 : memref<64x49920xf32, #tpu.memory_space<hbm>>)
      %dma_wait3A_61 = arith.constant 0 : i32
      %dma_wait3A_62 = arith.constant 0 : i32
      %dma_wait3A_63 = arith.constant 1 : i32
      %dma_wait3A_64 = tpu.memref_slice %arg9[%dma_wait3A_62, %dma_wait3A_63] : memref<2x2x!tpu.dma_semaphore, #tpu.memory_space<semaphore_mem>> -> memref<1x1x!tpu.dma_semaphore, #tpu.memory_space<semaphore_mem>>
      %dma_wait3A_65 = tpu.memref_squeeze %dma_wait3A_64 : memref<1x1x!tpu.dma_semaphore, #tpu.memory_space<semaphore_mem>> -> memref<!tpu.dma_semaphore, #tpu.memory_space<semaphore_mem>>
      %dma_wait3A_66 = arith.constant 896 : i32
      %dma_wait3A_67 = arith.constant 49920 : i32
      %dma_wait3A_68 = tpu.memref_slice %arg5[%dma_wait3A_66, %dma_wait3A_67] : memref<1024x100000xf32, #tpu.memory_space<hbm>> -> memref<64x50080xf32, #tpu.memory_space<hbm>>
      %dma_wait3A_69 = arith.constant 64 : i32
      %dma_wait3A_70 = arith.constant 0 : i32
      %dma_wait3A_71 = tpu.memref_slice %arg8[%dma_wait3A_61, %dma_wait3A_69, %dma_wait3A_70] : memref<2x128x50080xf32, #tpu.memory_space<vmem>> -> memref<1x64x50080xf32, #tpu.memory_space<vmem>>
      %dma_wait3A_72 = tpu.memref_squeeze %dma_wait3A_71 : memref<1x64x50080xf32, #tpu.memory_space<vmem>> -> memref<64x50080xf32, #tpu.memory_space<vmem>>
      tpu.wait_dma2 semaphore(%dma_wait3A_65 : memref<!tpu.dma_semaphore, #tpu.memory_space<semaphore_mem>>) src(%dma_wait3A_72 : memref<64x50080xf32, #tpu.memory_space<vmem>>) dst(%dma_wait3A_68 : memref<64x50080xf32, #tpu.memory_space<hbm>>)
      %dma_wait3A_73 = arith.constant 1 : i32
      %dma_wait3A_74 = arith.constant 1 : i32
      %dma_wait3A_75 = arith.constant 0 : i32
      %dma_wait3A_76 = tpu.memref_slice %arg9[%dma_wait3A_74, %dma_wait3A_75] : memref<2x2x!tpu.dma_semaphore, #tpu.memory_space<semaphore_mem>> -> memref<1x1x!tpu.dma_semaphore, #tpu.memory_space<semaphore_mem>>
      %dma_wait3A_77 = tpu.memref_squeeze %dma_wait3A_76 : memref<1x1x!tpu.dma_semaphore, #tpu.memory_space<semaphore_mem>> -> memref<!tpu.dma_semaphore, #tpu.memory_space<semaphore_mem>>
      %dma_wait3A_78 = arith.constant 960 : i32
      %dma_wait3A_79 = arith.constant 0 : i32
      %dma_wait3A_80 = tpu.memref_slice %arg5[%dma_wait3A_78, %dma_wait3A_79] : memref<1024x100000xf32, #tpu.memory_space<hbm>> -> memref<64x49920xf32, #tpu.memory_space<hbm>>
      %dma_wait3A_81 = arith.constant 0 : i32
      %dma_wait3A_82 = arith.constant 0 : i32
      %dma_wait3A_83 = tpu.memref_slice %arg8[%dma_wait3A_73, %dma_wait3A_81, %dma_wait3A_82] : memref<2x128x50080xf32, #tpu.memory_space<vmem>> -> memref<1x64x49920xf32, #tpu.memory_space<vmem>>
      %dma_wait3A_84 = tpu.memref_squeeze %dma_wait3A_83 : memref<1x64x49920xf32, #tpu.memory_space<vmem>> -> memref<64x49920xf32, #tpu.memory_space<vmem>>
      tpu.wait_dma2 semaphore(%dma_wait3A_77 : memref<!tpu.dma_semaphore, #tpu.memory_space<semaphore_mem>>) src(%dma_wait3A_84 : memref<64x49920xf32, #tpu.memory_space<vmem>>) dst(%dma_wait3A_80 : memref<64x49920xf32, #tpu.memory_space<hbm>>)
      %dma_wait3A_85 = arith.constant 1 : i32
      %dma_wait3A_86 = arith.constant 1 : i32
      %dma_wait3A_87 = arith.constant 1 : i32
      %dma_wait3A_88 = tpu.memref_slice %arg9[%dma_wait3A_86, %dma_wait3A_87] : memref<2x2x!tpu.dma_semaphore, #tpu.memory_space<semaphore_mem>> -> memref<1x1x!tpu.dma_semaphore, #tpu.memory_space<semaphore_mem>>
      %dma_wait3A_89 = tpu.memref_squeeze %dma_wait3A_88 : memref<1x1x!tpu.dma_semaphore, #tpu.memory_space<semaphore_mem>> -> memref<!tpu.dma_semaphore, #tpu.memory_space<semaphore_mem>>
      %dma_wait3A_90 = arith.constant 960 : i32
      %dma_wait3A_91 = arith.constant 49920 : i32
      %dma_wait3A_92 = tpu.memref_slice %arg5[%dma_wait3A_90, %dma_wait3A_91] : memref<1024x100000xf32, #tpu.memory_space<hbm>> -> memref<64x50080xf32, #tpu.memory_space<hbm>>
      %dma_wait3A_93 = arith.constant 64 : i32
      %dma_wait3A_94 = arith.constant 0 : i32
      %dma_wait3A_95 = tpu.memref_slice %arg8[%dma_wait3A_85, %dma_wait3A_93, %dma_wait3A_94] : memref<2x128x50080xf32, #tpu.memory_space<vmem>> -> memref<1x64x50080xf32, #tpu.memory_space<vmem>>
      %dma_wait3A_96 = tpu.memref_squeeze %dma_wait3A_95 : memref<1x64x50080xf32, #tpu.memory_space<vmem>> -> memref<64x50080xf32, #tpu.memory_space<vmem>>
      tpu.wait_dma2 semaphore(%dma_wait3A_89 : memref<!tpu.dma_semaphore, #tpu.memory_space<semaphore_mem>>) src(%dma_wait3A_96 : memref<64x50080xf32, #tpu.memory_space<vmem>>) dst(%dma_wait3A_92 : memref<64x50080xf32, #tpu.memory_space<hbm>>)
    } else {
    }
    return
  }
  func.func @transform_0(%arg0: i32) -> (i32, i32) {
    %c0_i32 = arith.constant 0 : i32
    %c0_i32_0 = arith.constant 0 : i32
    %c0_i32_1 = arith.constant 0 : i32
    return %c0_i32, %c0_i32_0 : i32, i32
  }
  func.func @transform_1(%arg0: i32) -> (i32, i32) {
    %c0_i32 = arith.constant 0 : i32
    %c0_i32_0 = arith.constant 0 : i32
    %c0_i32_1 = arith.constant 0 : i32
    return %c0_i32, %c0_i32_0 : i32, i32
  }
  func.func @transform_2(%arg0: i32) -> (i32, i32) {
    %c0_i32 = arith.constant 0 : i32
    %c0_i32_0 = arith.constant 0 : i32
    %c0_i32_1 = arith.constant 0 : i32
    return %c0_i32, %c0_i32_0 : i32, i32
  }
}

</mosaic_0001>

<sc_bundles>
// kernel: kernel.4.cloned.1.call-start
scs
__scs_entry_jumppad:
0x0: {  	(pc) =	sbr.rel $0x88, $3  }
0x1: {  	(tag) =	ssettag $0x0;
	lr =	simm.s32 $0x1  }
0x2: {  	[smem:$0x3F9D] =	sst lr;
	_ =	strace $0xD0000000  }
0x3: {  	_ = 	snop  }
0x4: {  	_ = 	snop  }
0x5: {  	_ = 	snop  }
0x6: {  	_ = 	snop  }
0x7: {  	_ = 	snop  }
__scs_overlays_trampoline_lowered:
0x8: {  	[smem:$0x3FAC] =	sst s0  }
0x9: {  	[smem:$0x3FAD] =	sst s1  }
0xa: {  	[smem:$0x3FAE] =	sst s2  }
0xb: {  	[smem:$0x3FAF] =	sst s3  }
0xc: {  	[smem:$0x3FB0] =	sst s4  }
0xd: {  	[smem:$0x3FB1] =	sst s5  }
0xe: {  	[smem:$0x3FB2] =	sst s6  }
0xf: {  	[smem:$0x3FB3] =	sst s7  }
0x10: {  	[smem:$0x3FB4] =	sst s8  }
0x11: {  	[smem:$0x3FB5] =	sst s9;
	s0 =	simm.s32 @!p0 $0x0  }
0x12: {  	s1 =	sld [smem:$0x3F9B];
	s0 =	simm.s32 @p0 $0x1  }
0x13: {  	[smem:$0x3FB6] =	sst s0;
	s0 =	simm.s32 @!p1 $0x0  }
0x14: {  	s2 =	sld [smem:$0x3F9A];
	s0 =	simm.s32 @p1 $0x1  }
0x15: {  	[smem:$0x3FB7] =	sst s0;
	s0 =	simm.s32 @!p2 $0x0  }
0x16: {  	s3 =	sld [smem:$0x3FDB];
	s0 =	simm.s32 @p2 $0x1  }
0x17: {  	s4 =	simm.s32 $0x1BF5;
	[smem:$0x3FB9] =	sst s0  }
0x18: {  	s0 =	sld [smem:$0x3F9C];
	_ =	swait.ge [sflag:s4], $0x0  }
0x19: {  	s7 =	sld [smem:$0x3F9D]  }
0x1a: {  	s8 =	sadd.s32 $0xFFFFE003, lr  }
0x1b: {  	s9 =	sadd.s32 $0xFFFFFEF7, lr;
	s5 =	simm.s32 $0xFFFFFFFF;
	p2 =	slt.u32 s8, $0xFFFFF086  }
0x1c: {  	p1 =	slt.u32 s9, $0xF7A;
	s5 =	simm.s32 @!p2 $0x0  }
0x1d: {  	s5 =	simm.s32 @p1 $0x1;
	p0 =	seq.s32 s7, s2  }
0x1e: {  	s7 =	smul.u32 @!p0 $0xF7A, s2;
	p2 =	seq.s32 @!p0 s5, $0x0  }
0x1f: {  	s9 =	smul.u32 $0xF7A, s1;
	s8 =	simm.s32 @!p0 $0x1BF5;
	p2 =	por !p2, p0  }
0x20: {  	[sflag:s8] =	ssyncset.s32 @!p0 $0xFFFFF086;
	s6 =	sadd.s32 @!p0 s3, s7;
	s7 =	simm.s32 @!p0 $0x108  }
0x21: {  	s3 =	sadd.s32 s3, s9;
	s6 =	sadd.s32 @!p0 $0x88, s6;
	s7 =	simm.s32 @p2 $0x1082  }
0x22: {  	[simem:s7], [sflag:s8] =	dma.local @!p0 [hbm:s6], $0xF7A  }
0x23: {  	s9 =	sor.u32 $0xD0000000, s2;
	s6 =	simm.s32 $0x108;
	_ =	swait.ge @!p0 [sflag:s8], $0x0  }
0x24: {  	s3 =	sadd.s32 $0x88, s3;
	s6 =	simm.s32 @!p1 $0x1082;
	[sflag:s4] =	ssyncset.s32 $0xFFFFF086  }
0x25: {  	[simem:s6], [sflag:s4] =	dma.local [hbm:s3], $0xF7A  }
0x26: {  	[smem:$0x3F9D] =	sst s1;
	(tag) =	ssettag s2;
	_ =	strace s9  }
0x27: {  	s1 =	sld [smem:$0x3FAD]  }
0x28: {  	s2 =	sld [smem:$0x3FAE]  }
0x29: {  	s4 =	sld [smem:$0x3FB0]  }
0x2a: {  	p0 =	seq.s32 s5, $0x0;
	s5 =	sld [smem:$0x3FB1]  }
0x2b: {  	s6 =	sld [smem:$0x3FB2]  }
0x2c: {  	s7 =	sld [smem:$0x3FB3]  }
0x2d: {  	s3 =	simm.s32 $0x108;
	s8 =	sld [smem:$0x3FB4]  }
0x2e: {  	s3 =	simm.s32 @!p0 $0x1082;
	s9 =	sld [smem:$0x3FB5]  }
0x2f: {  	lr =	sadd.s32 s0, s3;
	s0 =	sld [smem:$0x3FAC]  }
0x30: {  	s3 =	sld [smem:$0x3FAF]  }
0x31: {  	[smem:$0x3FB8] =	sst s10  }
0x32: {  	s10 =	sld [smem:$0x3FB6];
	_ =	sdelay $0x3  }
0x33: {  	p0 =	seq.s32 s10, $0x1;
	s10 =	sld [smem:$0x3FB8];
	_ =	sdelay $0x3  }
0x34: {  	[smem:$0x3FB8] =	sst s10  }
0x35: {  	s10 =	sld [smem:$0x3FB7];
	_ =	sdelay $0x3  }
0x36: {  	p1 =	seq.s32 s10, $0x1;
	s10 =	sld [smem:$0x3FB8];
	_ =	sdelay $0x3  }
0x37: {  	[smem:$0x3FB8] =	sst s10  }
0x38: {  	s10 =	sld [smem:$0x3FB9]  }
0x39: {  	_ = 	snop;
	(pc) =	sbr.ind lr, $3  }
0x3a: {  	_ = 	snop  }
0x3b: {  	_ = 	snop  }
0x3c: {  	p2 =	seq.s32 s10, $0x1;
	s10 =	sld [smem:$0x3FB8]  }
0x3d: {  	_ =	shalt  }
0x3e: {  	_ =	shalt  }
0x3f: {  	_ =	shalt  }
0x40: {  	_ =	shalt  }
0x41: {  	_ =	shalt  }
0x42: {  	_ =	shalt  }
0x43: {  	_ =	shalt  }
0x44: {  	_ =	shalt  }
0x45: {  	_ =	shalt  }
0x46: {  	_ =	shalt  }
0x47: {  	_ =	shalt  }
0x48: {  	_ =	shalt  }
0x49: {  	_ =	shalt  }
0x4a: {  	_ =	shalt  }
0x4b: {  	_ =	shalt  }
0x4c: {  	_ =	shalt  }
0x4d: {  	_ =	shalt  }
0x4e: {  	_ =	shalt  }
0x4f: {  	_ =	shalt  }
0x50: {  	_ =	shalt  }
0x51: {  	_ =	shalt  }
0x52: {  	_ =	shalt  }
0x53: {  	_ =	shalt  }
0x54: {  	_ =	shalt  }
0x55: {  	_ =	shalt  }
0x56: {  	_ =	shalt  }
0x57: {  	_ =	shalt  }
0x58: {  	_ =	shalt  }
0x59: {  	_ =	shalt  }
0x5a: {  	_ =	shalt  }
0x5b: {  	_ =	shalt  }
0x5c: {  	_ =	shalt  }
0x5d: {  	_ =	shalt  }
0x5e: {  	_ =	shalt  }
0x5f: {  	_ =	shalt  }
0x60: {  	_ =	shalt  }
0x61: {  	_ =	shalt  }
0x62: {  	_ =	shalt  }
0x63: {  	_ =	shalt  }
0x64: {  	_ =	shalt  }
0x65: {  	_ =	shalt  }
0x66: {  	_ =	shalt  }
0x67: {  	_ =	shalt  }
0x68: {  	_ =	shalt  }
0x69: {  	_ =	shalt  }
0x6a: {  	_ =	shalt  }
0x6b: {  	_ =	shalt  }
0x6c: {  	_ =	shalt  }
0x6d: {  	_ =	shalt  }
0x6e: {  	_ =	shalt  }
0x6f: {  	_ =	shalt  }
0x70: {  	_ =	shalt  }
0x71: {  	_ =	shalt  }
0x72: {  	_ =	shalt  }
0x73: {  	_ =	shalt  }
0x74: {  	_ =	shalt  }
0x75: {  	_ =	shalt  }
0x76: {  	_ =	shalt  }
0x77: {  	_ =	shalt  }
0x78: {  	_ =	shalt  }
0x79: {  	_ =	shalt  }
0x7a: {  	_ =	shalt  }
0x7b: {  	_ =	shalt  }
0x7c: {  	_ =	shalt  }
0x7d: {  	_ =	shalt  }
0x7e: {  	_ =	shalt  }
0x7f: {  	_ =	shalt  }
0x80: {  	_ =	shalt  }
0x81: {  	_ =	shalt  }
0x82: {  	_ =	shalt  }
0x83: {  	_ =	shalt  }
0x84: {  	_ =	shalt  }
0x85: {  	_ =	shalt  }
0x86: {  	_ =	shalt  }
0x87: {  	_ =	shalt  }
.Lfunc_end0:
.L_simem_size_0:
called_computation_lowered:
.L_overlay_start_0:
0x88: {  	s2 =	sld [smem:$0x3FD9]  }
0x89: {  	s3 =	sld [smem:$0x3FFE];
	_ =	sdelay $0x1  }
0x8a: {  	s1 =	srdreg.scid  }
0x8b: {  	s0 =	sand.u32 $0x1, s1  }
0x8c: {  	s17 =	sshll.u32 s0, $0xA;
	s2 =	sadd.s32 s3, s2  }
0x8d: {  	s2 =	sadd.s32 s2, s17  }
0x8e: {  	[smem:$0x3FC4] =	sst s2  }
0x8f: {  	_ = 	snop  }
0x90: {  	s2 =	sld [smem:$0x3FC9];
	(tm) =	ssettm $0x1  }
0x91: {  	s18 =	sld [smem:$0x3FFB];
	_ =	sdelay $0x3  }
0x92: {  	_ =	strace s18  }
0x93: {  	s3 =	sld [smem:$0x3FFC];
	_ =	sdelay $0x3  }
0x94: {  	_ =	strace s3  }
0x95: {  	s3 =	sld [smem:$0x3FFD];
	_ =	sdelay $0x3  }
0x96: {  	_ =	strace s3  }
0x97: {  	_ =	strace $0x8FFFFFFF  }
0x98: {  	s19 =	sld [smem:$0x3FDB];
	_ =	sdelay $0x1  }
0x99: {  	s4 =	simm.s32 $_scs_section_size  }
0x9a: {  	s5 =	simm.s32 $_size__tile_overlayer_lowered;
	s6 =	simm.s32 $_tile_overlayer_lowered  }
0x9b: {  	s22 =	simm.s32 $0x1BFF;
	s21 =	sshll.u32 s6, $0x1;
	s3 =	sadd.s32 s4, s19  }
0x9c: {  	s7 =	simm.s32 $0x0;
	s20 =	sshll.u32 s5, $0x1;
	s5 =	sadd.s32 s21, s3  }
0x9d: {  	[timem:s7], [sflag:s22] =	dma.local [hbm:s5], s20  }
0x9e: {  	_ =	swait.ge [sflag:s22], s20  }
0x9f: {  	s4 =	ssub.s32 $0x0, s20;
	[sflag:s22] =	ssyncset.done $0x0  }
0xa0: {  	[sflag:s22] =	ssyncadd.s32 s4;
	_ =	sdelay $0x1  }
0xa1: {  	s23 =	simm.s32 $0x1B8B  }
0xa2: {  	_ =	swait.ge [sflag:s23], $0x1  }
0xa3: {  	[sflag:s23] =	ssyncset.done $0x0  }
0xa4: {  	s25 =	simm.s32 $0x1B8E;
	s24 =	sld [smem:$0x3FFE];
	[sflag:s23] =	ssyncadd.s32 $0xFFFFFFFF  }
0xa5: {  	s26 =	simm.s32 $execute0_lowered;
	[smem:$0x3FD2] =	sst s25  }
0xa6: {  	s5 =	sshll.u32 s26, $0x1;
	_ =	strace $0x80000046;
	[dreg:$0x1] =	wrdreg $0xFFFFFFFF  }
0xa7: {  	s28 =	simm.s32 $_size_execute0_lowered;
	s3 =	sadd.s32 s3, s5;
	[dreg:$0x0] =	wrdreg $0x0  }
0xa8: {  	s5 =	sshll.u32 s28, $0x1;
	[dreg:$0x2] =	wrdreg s3  }
0xa9: {  	[dreg:$0x3] =	wrdreg s5  }
0xaa: {  	[dreg:$0x4] =	wrdreg $0xC0  }
0xab: {  	_ =	task [dreg:s7], $0x5FFFF  }
0xac: {  	[dreg:$0x1] =	wrdreg $0xFFFFFFFF  }
0xad: {  	[dreg:$0x0] =	wrdreg $0x60  }
0xae: {  	[dreg:$0x2] =	wrdreg s24  }
0xaf: {  	[dreg:$0x3] =	wrdreg s2  }
0xb0: {  	[dreg:$0x4] =	wrdreg $0x9  }
0xb1: {  	_ =	task.clear_ibuf [dreg:s7], $0x5FFFF;
	_ =	strace $0x90000046  }
0xb2: {  	s29 =	simm.s32 $0x9;
	_ =	strace $0x80000048  }
0xb3: {  	_ =	swait.ge [sflag:s29], $0x1  }
0xb4: {  	[sflag:s29] =	ssyncadd.s32 $0xFFFFFFFF  }
0xb5: {  	_ =	strace $0x90000048  }
0xb6: {  	_ =	sfence  }
0xb7: {  	s30 =	sld [smem:$0x0];
	_ =	sdelay $0x2  }
0xb8: {  	s31 =	sshll.u32 s1, $0xD;
	s1 =	sshrl.u32 s1, $0x2  }
0xb9: {  	s3 =	sand.u32 $0x4000, s31;
	s1 =	sadd.s32 s1, s30  }
0xba: {  	s0 =	sor.u32 s3, s0;
	s1 =	sshll.u32 s1, $0x11  }
0xbb: {  	s0 =	sor.u32 s1, s0  }
0xbc: {  	s0 =	sadd.s32 $0x8F2B, s0  }
0xbd: {  	[sflag:s0] =	ssyncadd.remote.s32 $0x1  }
0xbe: {  	_ =	sfence.sel $0xFFFF  }
0xbf: {  	[dreg:$0x0] =	wrdreg $0xFFFFFFFF;
	(pc) =	sbr.abs _section_cstart, $3  }
0xc0: {  	[dreg:$0x1] =	wrdreg $0xFFFFFFFF  }
0xc1: {  	_ =	task.clear_ibuf [dreg:s7], $0x2FFFF;
	_ =	strace $0x9FFFFFFF  }
0xc2: {  	(tm) =	ssettm $0x7FFFFFFF  }
0xc3: {  	_ =	shalt  }
tec
execute0_lowered:
.L_overlay_start_1:
0x0: {  	(tag) =	ssettag $0x1  }
0x1: {  	s1 =	srdreg.scid  }
0x2: {  	s8 =	rddreg [dreg:$0x0];
	s0 =	stileid.u32  }
0x3: {  	s3 =	rddreg [dreg:$0x1];
	s2 =	simm.s32 $0x0;
	s6 =	sand.u32 $0x1, s1  }
0x4: {  	s4 =	sshll.u32 s0, $0x6;
	s1 =	rddreg [dreg:$0x2];
	s5 =	sshll.u32 s6, $0x5  }
0x5: {  	s7 =	simm.s32 $0x1;
	[smem:$0x7FF] =	sst s2;
	s9 =	sor.u32 s5, s4  }
0x6: {  	_ =	strace $0x80000047;
	s10 =	ssub.s32 $0x2, s6;
	s4 =	sshrl.u32 s9, $0x3  }
0x7: {  	s6 =	simm.s32 $0x20;
	s4 =	sadd.s32 s3, s4;
	s3 =	simm.s32 $0x2  }
0x8: {  	[tilespmem:s2], [sflag:$0x2] =	stream.linear.gather [hbm4b:s4+s2], $0x20, $0x38;
	[tilespmem:$0x820] =	vst v63  }
0x9: {  	s5 =	sadd.s32 $0x600, s8;
	s11 =	sshrl.u32 s10, $0x1;
	_ =	swait.ge [sflag:s3], $0x20  }
0xa: {  	s9 =	sshll.u32 s9, $0x3;
	s31 =	ssub.s32 s10, s11;
	[sflag:s3] =	ssyncset.done $0x0  }
0xb: {  	s8 =	sadd.s32 s9, s8;
	s9 =	smax.u32 s31, $0x1;
	[sflag:s3] =	ssyncadd.s32 $0xFFFFFFE0  }
0xc: {  	[tilespmem:s6], [sflag:$0x1] =	stream.indirect.gather [hbm4b:s5+s6], $0x40, s2, s6, $0xb8;
	[tilespmem:$0x820] =	vst v63  }
0xd: {  	p0 =	sne.s32 s9, $0x1;
	_ =	swait.ge [sflag:s7], $0x800  }
.Ltmp0:
0xe: {  	[sflag:s7] =	ssyncset.done $0x0;
	(pc) =	sbr.rel @!p0 .LBB2_2-.Ltmp0, $4  }
0xf: {  	s8 =	sadd.s32 $0xC3C00, s8;
	[sflag:s7] =	ssyncadd.s32 $0xFFFFF800  }
0x10: {  	[hbm4b:s8+s2] =	stream.linear.scatter [tilespmem:s6], [sflag:$0x2], $0x800, $0x38;
	[tilespmem:$0x820] =	vst v63  }
0x11: {  	_ =	swait.ge [sflag:s3], $0x800  }
0x12: {  	s9 =	sadd.s32 $0xFFFFFFFF, s9;
	[sflag:s3] =	ssyncset.done $0x0  }
.LBB2_1:
0x13: {  	p0 =	sne.s32 s9, $0x1;
	s9 =	sadd.s32 $0xFFFFFFFF, s9;
	[sflag:s3] =	ssyncadd.s32 $0xFFFFF800  }
0x14: {  	[tilespmem:s2], [sflag:$0x2] =	stream.linear.gather [hbm4b:s4+s2], $0x20, $0x38;
	[tilespmem:$0x820] =	vst v63  }
0x15: {  	_ =	swait.ge [sflag:s3], $0x20  }
0x16: {  	[sflag:s3] =	ssyncset.done $0x0  }
0x17: {  	[sflag:s3] =	ssyncadd.s32 $0xFFFFFFE0  }
0x18: {  	[tilespmem:s6], [sflag:$0x1] =	stream.indirect.gather [hbm4b:s5+s6], $0x40, s2, s6, $0xb8;
	[tilespmem:$0x820] =	vst v63  }
0x19: {  	_ =	swait.ge [sflag:s7], $0x800  }
.Ltmp1:
0x1a: {  	[sflag:s7] =	ssyncset.done $0x0;
	(pc) =	sbr.rel @p0 .LBB2_1-.Ltmp1, $4  }
0x1b: {  	[sflag:s7] =	ssyncadd.s32 $0xFFFFF800  }
0x1c: {  	[hbm4b:s8+s2] =	stream.linear.scatter [tilespmem:s6], [sflag:$0x2], $0x800, $0x38;
	[tilespmem:$0x820] =	vst v63  }
0x1d: {  	_ =	swait.ge [sflag:s3], $0x800  }
0x1e: {  	[sflag:s3] =	ssyncset.done $0x0  }
.LBB2_2:
0x1f: {  	[sflag:s3] =	ssyncadd.s32 $0xFFFFF800  }
0x20: {  	_ =	sfence.sel $0x180000  }
0x21: {  	[bflag:$0x0] =	sbarrier.arrive $0xFFFF  }
0x22: {  	p0 =	sne.s32 s0, $0x0;
	_ =	strace $0x90000047  }
0x23: {  	s0 =	sadd.s32 @!p0 $0x100000, s1;
	[bflag:$0x2] =	sbarrier.arrive $0xFFFF  }
0x24: {  	[sflag:s0] =	ssyncadd.tile.s32 @!p0 $0x1;
	_ =	shalt  }
.Lfunc_end2:
_tile_overlayer_lowered:
.L_overlay_start_2:
0x25: {  	(tag) =	ssettag $0x2  }
0x26: {  	s0 =	rddreg [dreg:$0x0];
	s2 =	stileid.u32  }
0x27: {  	s1 =	rddreg [dreg:$0x1];
	p0 =	sne.s32 s2, $0x0  }
0x28: {  	s3 =	rddreg [dreg:$0x2];
	[bflag:$0x3] =	sbarrier.arrive $0xFFFF;
	s2 =	simm.s32 @!p0 $0x1C02  }
0x29: {  	[timem:s3], [sflag:s2] =	dma.local @!p0 [hbm:s0], s1  }
0x2a: {  	s0 =	simm.s32 @!p0 $0x2  }
0x2b: {  	_ =	swait.ge @!p0 [sflag:s0], s1  }
0x2c: {  	s1 =	ssub.s32 @!p0 $0x0, s1;
	[sflag:s0] =	ssyncset.done @!p0 $0x0  }
0x2d: {  	[sflag:s0] =	ssyncadd.s32 @!p0 s1  }
0x2e: {  	[bflag:$0x3] =	sbarrier.arrive $0xFFFF  }
0x2f: {  	_ =	shalt  }

</sc_bundles>
